<compile_context>
chip_gen: v7x
topology: tpu7x:2x2x1
jax: 0.10.2.dev20260603
libtpu: 0.0.44.dev20260713+nightly
codegen_flags: <defaults>
</compile_context>

<pallas_src>
import functools

import jax
import jax.numpy as jnp
from jax import lax
from jax.experimental import pallas as pl
from jax.experimental.pallas import tpu as pltpu
from jax.experimental.pallas import tpu_sc as plsc

_EPS = 1e-5



def _lut_body(atom_ref, pos_ref, count_ref, w_ref, b_ref, out_ref):
    base = atom_ref[...] + pos_ref[...]
    cnt = count_ref[...]
    x = base[:, None, :] + cnt[None, :, :]
    mean = jnp.mean(x, axis=-1, keepdims=True)
    xc = x - mean
    var = jnp.mean(xc * xc, axis=-1, keepdims=True)
    y = xc * lax.rsqrt(var + _EPS)
    out_ref[...] = y * w_ref[...] + b_ref[...]


def _build_lut(atom_table, pos_table, count_padded, ln_weight, ln_bias):
    A, D = atom_table.shape
    CP = count_padded.shape[0]
    return pl.pallas_call(
        _lut_body,
        out_shape=jax.ShapeDtypeStruct((A, CP, D), jnp.float32),
    )(atom_table, pos_table, count_padded,
      ln_weight.reshape(1, D), ln_bias.reshape(1, D))



_CHUNK = 128
_NBUF = 2


def _make_sc_gather(n_rows, B, D, CP, per_w, A):
    info = plsc.get_sparse_core_info()
    NC, L = info.num_cores, info.num_lanes
    n_chunks = per_w // _CHUNK
    n_rounds = n_chunks // _NBUF
    n_vec = per_w // L
    warm_vec = (_NBUF * _CHUNK) // L

    mesh = plsc.VectorSubcoreMesh(core_axis_name="c", subcore_axis_name="s")

    @functools.partial(
        pl.kernel,
        mesh=mesh,
        out_type=[
            jax.ShapeDtypeStruct((n_rows, D), jnp.float32),
            jax.ShapeDtypeStruct((n_rows,), jnp.float32),
        ],
        scratch_types=[
            pltpu.VMEM((per_w,), jnp.int32),
            pltpu.VMEM((per_w,), jnp.float32),
            pltpu.VMEM_SHARED((A * CP, D), jnp.float32),
        ] + [pltpu.VMEM((_CHUNK, D), jnp.float32)] * _NBUF
          + [pltpu.SemaphoreType.DMA] * (2 * _NBUF + 2),
    )
    def sc_gather(fv_hbm, lut_hbm, out_hbm, mask_hbm,
                  idx_v, mask_v, lut_sp, *bufs_sems):
        rows = bufs_sems[:_NBUF]
        gsem = bufs_sems[_NBUF:2 * _NBUF]
        wsem = bufs_sems[2 * _NBUF:3 * _NBUF]
        msem = bufs_sems[3 * _NBUF]
        ssem = bufs_sems[3 * _NBUF + 1]

        sid = lax.axis_index("s")
        wid = sid * NC + lax.axis_index("c")
        base = wid * per_w

        @pl.when(sid == 0)
        def _stage():
            pltpu.make_async_copy(lut_hbm, lut_sp, ssem).start()

        pltpu.sync_copy(fv_hbm.at[pl.ds(base, per_w)], idx_v)

        def vec_body(i, carry):
            v = idx_v[pl.ds(i * L, L)]
            p = base + i * L + lax.iota(jnp.int32, L)
            a = lax.div(p, B)
            c = jnp.minimum(jnp.maximum(v, 0), 200)
            idx_v[pl.ds(i * L, L)] = a * CP + c
            mask_v[pl.ds(i * L, L)] = jnp.where(
                v > 0, jnp.float32(1.0), jnp.float32(0.0))
            return carry

        def fire_gather(j, t):
            pltpu.make_async_copy(
                lut_sp.at[idx_v.at[pl.ds(j * _CHUNK, _CHUNK)]],
                rows[t], gsem[t]).start()

        def wait_gather(t):
            pltpu.make_async_copy(
                lut_sp.at[idx_v.at[pl.ds(0, _CHUNK)]],
                rows[t], gsem[t]).wait()

        def fire_write(j, t):
            pltpu.make_async_copy(
                rows[t], out_hbm.at[pl.ds(base + j * _CHUNK, _CHUNK)],
                wsem[t]).start()

        def wait_write(j, t):
            pltpu.make_async_copy(
                rows[t], out_hbm.at[pl.ds(base + j * _CHUNK, _CHUNK)],
                wsem[t]).wait()

        lax.fori_loop(0, warm_vec, vec_body, 0)

        @pl.when(sid == 0)
        def _stage_wait():
            pltpu.make_async_copy(lut_hbm, lut_sp, ssem).wait()

        plsc.subcore_barrier()
        for t in range(_NBUF):
            fire_gather(t, t)
        lax.fori_loop(warm_vec, n_vec, vec_body, 0)
        pltpu.make_async_copy(
            mask_v, mask_hbm.at[pl.ds(base, per_w)], msem).start()

        def round_body(k, carry):
            j0 = k * _NBUF
            for t in range(_NBUF):
                wait_gather(t)
                fire_write(j0 + t, t)
            for t in range(_NBUF):
                wait_write(j0 + t, t)
                fire_gather(j0 + _NBUF + t, t)
            return carry

        lax.fori_loop(0, n_rounds - 1, round_body, 0)

        j0 = (n_rounds - 1) * _NBUF
        for t in range(_NBUF):
            wait_gather(t)
            fire_write(j0 + t, t)
        for t in range(_NBUF):
            wait_write(j0 + t, t)
        pltpu.make_async_copy(
            mask_v, mask_hbm.at[pl.ds(base, per_w)], msem).wait()

    return sc_gather



def kernel(formula_vectors, atom_table, count_table, pos_table,
           ln_weight, ln_bias):
    B, A = formula_vectors.shape
    D = atom_table.shape[1]
    MC1 = count_table.shape[0]
    CP = 208

    count_padded = jnp.zeros((CP, D), jnp.float32).at[:MC1].set(count_table)
    lut = _build_lut(atom_table, pos_table, count_padded, ln_weight, ln_bias)
    lut_flat = lut.reshape(A * CP, D)

    n_rows = B * A
    NW = 32
    per_w = n_rows // NW
    fv_t = formula_vectors.T.reshape(n_rows)

    sc = _make_sc_gather(n_rows, B, D, CP, per_w, A)
    out_flat, mask_flat = sc(fv_t, lut_flat)
    out = out_flat.reshape(A, B, D).transpose(1, 0, 2)
    mask = mask_flat.reshape(A, B).T
    return out, mask

# --- scband reference (transcript-rebuilt; emitter-appended) ---
"""Pipeline reference for scband-formula-sequence-encoder-2508260901123 (READ-ONLY COPY).

The authoritative reference and input builder live on the scoring server;
editing this copy changes nothing except your own understanding.
"""

import jax, jax.numpy as jnp
import numpy as np


def _layer_norm(x, w, b, eps=1e-5):
    mean = jnp.mean(x, axis=-1, keepdims=True)
    var = jnp.mean((x - mean) ** 2, axis=-1, keepdims=True)
    return (x - mean) / jnp.sqrt(var + eps) * w + b


def setup_inputs(seed: int = 0) -> dict:
    key = jax.random.key(seed)
    ks = jax.random.split(key, 4)
    B, A, D, MC = 16384, 30, 128, 200
    formula_vectors = jax.random.randint(ks[0], (B, A), 0, MC + 1, dtype=jnp.int32)
    atom_table = jax.random.normal(ks[1], (A, D), dtype=jnp.float32) * 0.02
    count_table = jax.random.normal(ks[2], (MC + 1, D), dtype=jnp.float32) * 0.02
    pos_table = jax.random.normal(ks[3], (A, D), dtype=jnp.float32) * 0.02
    ln_weight = jnp.ones((D,), dtype=jnp.float32)
    ln_bias = jnp.zeros((D,), dtype=jnp.float32)
    return {
        "formula_vectors": formula_vectors,
        "atom_table": atom_table,
        "count_table": count_table,
        "pos_table": pos_table,
        "ln_weight": ln_weight,
        "ln_bias": ln_bias,
    }


def reference(formula_vectors, atom_table, count_table, pos_table, ln_weight, ln_bias):
    B, A = formula_vectors.shape
    atom_indices = jnp.broadcast_to(jnp.arange(A, dtype=jnp.int32)[None, :], (B, A))
    atom_emb = jnp.take(atom_table, atom_indices, axis=0)
    counts_clipped = jnp.clip(formula_vectors, 0, 200).astype(jnp.int32)
    count_emb = jnp.take(count_table, counts_clipped, axis=0)
    pos_emb = jnp.take(pos_table, atom_indices, axis=0)
    embeddings = _layer_norm(atom_emb + count_emb + pos_emb, ln_weight, ln_bias)
    mask = (formula_vectors > 0).astype(jnp.float32)
    return embeddings, mask

if __name__ == "__main__":
    import jax
    _d = setup_inputs()
    print(jax.jit(kernel)(*tuple(_d.values())))

</pallas_src>

<mosaic_0001>
#map = affine_map<(d0, d1) -> (0)>
#map1 = affine_map<(d0, d1) -> (0, 0)>
module attributes {stable_mosaic.version = 14 : i64} {
  func.func @sc_gather(%arg0: i32, %arg1: i32, %arg2: memref<491520xi32, #tpu.memory_space<hbm>>, %arg3: memref<6240x128xf32, #tpu.memory_space<hbm>>, %arg4: memref<491520x128xf32, #tpu.memory_space<hbm>>, %arg5: memref<491520xf32, #tpu.memory_space<hbm>>, %arg6: memref<15360xi32, #tpu.memory_space<vmem>>, %arg7: memref<15360xf32, #tpu.memory_space<vmem>>, %arg8: memref<6240x128xf32, #tpu.memory_space<vmem_shared>>, %arg9: memref<128x128xf32, #tpu.memory_space<vmem>>, %arg10: memref<128x128xf32, #tpu.memory_space<vmem>>, %arg11: memref<!tpu.dma_semaphore, #tpu.memory_space<semaphore_mem>>, %arg12: memref<!tpu.dma_semaphore, #tpu.memory_space<semaphore_mem>>, %arg13: memref<!tpu.dma_semaphore, #tpu.memory_space<semaphore_mem>>, %arg14: memref<!tpu.dma_semaphore, #tpu.memory_space<semaphore_mem>>, %arg15: memref<!tpu.dma_semaphore, #tpu.memory_space<semaphore_mem>>, %arg16: memref<!tpu.dma_semaphore, #tpu.memory_space<semaphore_mem>>) attributes {dimension_semantics = [#tpu.dimension_semantics<core_parallel>, #tpu.dimension_semantics<subcore_parallel>], iteration_bounds = array<i64: 2, 16>, scalar_prefetch = 0 : i64, scratch_operands = 11 : i64, tpu.core_type = #tpu.core_type<sc_vector_subcore>, window_params = [{transform_indices = #map}, {transform_indices = #map1}, {transform_indices = #map1}, {transform_indices = #map}]} {
    %mul3A = arith.constant 2 : i32
    %mul3A_0 = arith.muli %arg1, %mul3A : i32
    %add3A = arith.addi %mul3A_0, %arg0 : i32
    %mul3A_1 = arith.constant 15360 : i32
    %mul3A_2 = arith.muli %add3A, %mul3A_1 : i32
    %eq3A = arith.constant 0 : i32
    %eq3A_3 = arith.cmpi eq, %arg1, %eq3A : i32
    %convert_element_type3A = arith.extui %eq3A_3 : i1 to i32
    %cond3A = arith.constant 0 : i32
    %cond3A_4 = arith.cmpi ne, %convert_element_type3A, %cond3A : i32
    scf.if %cond3A_4 {
      tpu.enqueue_dma source(%arg3 : memref<6240x128xf32, #tpu.memory_space<hbm>>) target(%arg8 : memref<6240x128xf32, #tpu.memory_space<vmem_shared>>) target_semaphore(%arg16 : memref<!tpu.dma_semaphore, #tpu.memory_space<semaphore_mem>>)
    } else {
    }
    "tpu.region"() ({
      %run_scoped3A = tpu.sem_alloc : memref<!tpu.dma_semaphore, #tpu.memory_space<semaphore_mem>>
      %dma_start3A_73 = tpu.memref_slice %arg2[%mul3A_2] : memref<491520xi32, #tpu.memory_space<hbm>> -> memref<15360xi32, #tpu.memory_space<hbm>>
      %dma_start3A_74 = tpu.memref_slice %arg2[%mul3A_2] : memref<491520xi32, #tpu.memory_space<hbm>> -> memref<15360xi32, #tpu.memory_space<hbm>>
      tpu.enqueue_dma source(%dma_start3A_74 : memref<15360xi32, #tpu.memory_space<hbm>>) target(%arg6 : memref<15360xi32, #tpu.memory_space<vmem>>) target_semaphore(%run_scoped3A : memref<!tpu.dma_semaphore, #tpu.memory_space<semaphore_mem>>)
      %dma_wait3A_75 = tpu.memref_slice %arg2[%mul3A_2] : memref<491520xi32, #tpu.memory_space<hbm>> -> memref<15360xi32, #tpu.memory_space<hbm>>
      %dma_wait3A_76 = tpu.memref_slice %arg2[%mul3A_2] : memref<491520xi32, #tpu.memory_space<hbm>> -> memref<15360xi32, #tpu.memory_space<hbm>>
      tpu.wait_dma2 semaphore(%run_scoped3A : memref<!tpu.dma_semaphore, #tpu.memory_space<semaphore_mem>>) src(%dma_wait3A_76 : memref<15360xi32, #tpu.memory_space<hbm>>) dst(%arg6 : memref<15360xi32, #tpu.memory_space<vmem>>)
      tpu.yield
    }) : () -> ()
    %scan3A = arith.constant 0 : i32
    %scan3A_5 = arith.constant 0 : i32
    %scan3A_6 = arith.constant 16 : i32
    %scan3A_7 = arith.addi %scan3A_5, %scan3A_6 : i32
    %scan3A_8 = arith.constant 1 : i32
    scf.for %scan3A_73 = %scan3A_5 to %scan3A_7 step %scan3A_8  : i32 {
      %mul3A_74 = arith.constant 16 : i32
      %mul3A_75 = arith.muli %scan3A_73, %mul3A_74 : i32
      %get3A = arith.index_cast %mul3A_75 : i32 to index
      %get3A_76 = tpu.vector_load %arg6[%get3A] {strides = array<i32>} : memref<15360xi32, #tpu.memory_space<vmem>>, vector<16xi32>,
      %get3A_77 = vector.shape_cast %get3A_76 : vector<16xi32> to vector<16xi32>
      %mul3A_78 = arith.constant 16 : i32
      %mul3A_79 = arith.muli %scan3A_73, %mul3A_78 : i32
      %add3A_80 = arith.addi %mul3A_2, %mul3A_79 : i32
      %iota3A = tpu.iota {dimensions = array<i32: 0>} : vector<16xi32>
      %add3A_81 = vector.broadcast %add3A_80 : i32 to vector<16xi32>
      %add3A_82 = arith.addi %add3A_81, %iota3A : vector<16xi32>
      %div3A = arith.constant 16384 : i32
      %div3A_83 = vector.broadcast %div3A : i32 to vector<16xi32>
      %div3A_84 = arith.divsi %add3A_82, %div3A_83 : vector<16xi32>
      %max3A = arith.constant 0 : i32
      %max3A_85 = vector.broadcast %max3A : i32 to vector<16xi32>
      %max3A_86 = arith.maxsi %get3A_77, %max3A_85 : vector<16xi32>
      %min3A = arith.constant 200 : i32
      %min3A_87 = vector.broadcast %min3A : i32 to vector<16xi32>
      %min3A_88 = arith.minsi %max3A_86, %min3A_87 : vector<16xi32>
      %mul3A_89 = arith.constant 208 : i32
      %mul3A_90 = vector.broadcast %mul3A_89 : i32 to vector<16xi32>
      %mul3A_91 = arith.muli %div3A_84, %mul3A_90 : vector<16xi32>
      %add3A_92 = arith.addi %mul3A_91, %min3A_88 : vector<16xi32>
      %mul3A_93 = arith.constant 16 : i32
      %mul3A_94 = arith.muli %scan3A_73, %mul3A_93 : i32
      %swap3A = arith.index_cast %mul3A_94 : i32 to index
      %swap3A_95 = tpu.vector_load %arg6[%swap3A] {strides = array<i32>} : memref<15360xi32, #tpu.memory_space<vmem>>, vector<16xi32>,
      %swap3A_96 = vector.shape_cast %swap3A_95 : vector<16xi32> to vector<16xi32>
      %swap3A_97 = vector.shape_cast %add3A_92 : vector<16xi32> to vector<16xi32>
      tpu.vector_store %arg6[%swap3A], %swap3A_97 {strides = array<i32>} : memref<15360xi32, #tpu.memory_space<vmem>>, vector<16xi32>,
      %gt3A = arith.constant 0 : i32
      %gt3A_98 = vector.broadcast %gt3A : i32 to vector<16xi32>
      %gt3A_99 = arith.cmpi sgt, %get3A_77, %gt3A_98 : vector<16xi32>
      %jit3A = arith.constant 1.000000e+00 : f32
      %jit3A_100 = arith.constant 0.000000e+00 : f32
      %broadcast_in_dim3A = vector.broadcast %jit3A : f32 to vector<16xf32>
      %broadcast_in_dim3A_101 = vector.broadcast %jit3A_100 : f32 to vector<16xf32>
      %select_n3A = arith.select %gt3A_99, %broadcast_in_dim3A, %broadcast_in_dim3A_101 : vector<16xi1>, vector<16xf32>
      %mul3A_102 = arith.constant 16 : i32
      %mul3A_103 = arith.muli %scan3A_73, %mul3A_102 : i32
      %swap3A_104 = arith.index_cast %mul3A_103 : i32 to index
      %swap3A_105 = tpu.vector_load %arg7[%swap3A_104] {strides = array<i32>} : memref<15360xf32, #tpu.memory_space<vmem>>, vector<16xf32>,
      %swap3A_106 = vector.shape_cast %swap3A_105 : vector<16xf32> to vector<16xf32>
      %swap3A_107 = vector.shape_cast %select_n3A : vector<16xf32> to vector<16xf32>
      tpu.vector_store %arg7[%swap3A_104], %swap3A_107 {strides = array<i32>} : memref<15360xf32, #tpu.memory_space<vmem>>, vector<16xf32>,
    }
    %scan3A_9 = arith.constant 16 : i32
    %eq3A_10 = arith.constant 0 : i32
    %eq3A_11 = arith.cmpi eq, %arg1, %eq3A_10 : i32
    %convert_element_type3A_12 = arith.extui %eq3A_11 : i1 to i32
    %cond3A_13 = arith.constant 0 : i32
    %cond3A_14 = arith.cmpi ne, %convert_element_type3A_12, %cond3A_13 : i32
    scf.if %cond3A_14 {
      tpu.wait_dma2 semaphore(%arg16 : memref<!tpu.dma_semaphore, #tpu.memory_space<semaphore_mem>>) src(%arg3 : memref<6240x128xf32, #tpu.memory_space<hbm>>) dst(%arg8 : memref<6240x128xf32, #tpu.memory_space<vmem_shared>>)
    } else {
    }
    %barrier3A = arith.constant 0 : index
    tpu.barrier barrier_id(%barrier3A)
    %dma_start3A = arith.constant 0 : i32
    %dma_start3A_15 = tpu.memref_slice %arg6[%dma_start3A] : memref<15360xi32, #tpu.memory_space<vmem>> -> memref<128xi32, #tpu.memory_space<vmem>>
    %dma_start3A_16 = arith.constant 0 : i32
    %dma_start3A_17 = arith.constant 0 : i32
    %dma_start3A_18 = tpu.memref_slice %arg8[%dma_start3A_16, %dma_start3A_17] : memref<6240x128xf32, #tpu.memory_space<vmem_shared>> -> memref<6240x128xf32, #tpu.memory_space<vmem_shared>>
    tpu.enqueue_indirect_dma source(%dma_start3A_18 : memref<6240x128xf32, #tpu.memory_space<vmem_shared>>) target(%arg9 : memref<128x128xf32, #tpu.memory_space<vmem>>) offsets(%dma_start3A_15 : memref<128xi32, #tpu.memory_space<vmem>>) semaphore(%arg11 : memref<!tpu.dma_semaphore, #tpu.memory_space<semaphore_mem>>)
    %dma_start3A_19 = arith.constant 128 : i32
    %dma_start3A_20 = tpu.memref_slice %arg6[%dma_start3A_19] : memref<15360xi32, #tpu.memory_space<vmem>> -> memref<128xi32, #tpu.memory_space<vmem>>
    %dma_start3A_21 = arith.constant 0 : i32
    %dma_start3A_22 = arith.constant 0 : i32
    %dma_start3A_23 = tpu.memref_slice %arg8[%dma_start3A_21, %dma_start3A_22] : memref<6240x128xf32, #tpu.memory_space<vmem_shared>> -> memref<6240x128xf32, #tpu.memory_space<vmem_shared>>
    tpu.enqueue_indirect_dma source(%dma_start3A_23 : memref<6240x128xf32, #tpu.memory_space<vmem_shared>>) target(%arg10 : memref<128x128xf32, #tpu.memory_space<vmem>>) offsets(%dma_start3A_20 : memref<128xi32, #tpu.memory_space<vmem>>) semaphore(%arg12 : memref<!tpu.dma_semaphore, #tpu.memory_space<semaphore_mem>>)
    %scan3A_24 = arith.constant 0 : i32
    %scan3A_25 = arith.constant 16 : i32
    %scan3A_26 = arith.constant 944 : i32
    %scan3A_27 = arith.addi %scan3A_25, %scan3A_26 : i32
    %scan3A_28 = arith.constant 1 : i32
    scf.for %scan3A_73 = %scan3A_25 to %scan3A_27 step %scan3A_28  : i32 {
      %mul3A_74 = arith.constant 16 : i32
      %mul3A_75 = arith.muli %scan3A_73, %mul3A_74 : i32
      %get3A = arith.index_cast %mul3A_75 : i32 to index
      %get3A_76 = tpu.vector_load %arg6[%get3A] {strides = array<i32>} : memref<15360xi32, #tpu.memory_space<vmem>>, vector<16xi32>,
      %get3A_77 = vector.shape_cast %get3A_76 : vector<16xi32> to vector<16xi32>
      %mul3A_78 = arith.constant 16 : i32
      %mul3A_79 = arith.muli %scan3A_73, %mul3A_78 : i32
      %add3A_80 = arith.addi %mul3A_2, %mul3A_79 : i32
      %iota3A = tpu.iota {dimensions = array<i32: 0>} : vector<16xi32>
      %add3A_81 = vector.broadcast %add3A_80 : i32 to vector<16xi32>
      %add3A_82 = arith.addi %add3A_81, %iota3A : vector<16xi32>
      %div3A = arith.constant 16384 : i32
      %div3A_83 = vector.broadcast %div3A : i32 to vector<16xi32>
      %div3A_84 = arith.divsi %add3A_82, %div3A_83 : vector<16xi32>
      %max3A = arith.constant 0 : i32
      %max3A_85 = vector.broadcast %max3A : i32 to vector<16xi32>
      %max3A_86 = arith.maxsi %get3A_77, %max3A_85 : vector<16xi32>
      %min3A = arith.constant 200 : i32
      %min3A_87 = vector.broadcast %min3A : i32 to vector<16xi32>
      %min3A_88 = arith.minsi %max3A_86, %min3A_87 : vector<16xi32>
      %mul3A_89 = arith.constant 208 : i32
      %mul3A_90 = vector.broadcast %mul3A_89 : i32 to vector<16xi32>
      %mul3A_91 = arith.muli %div3A_84, %mul3A_90 : vector<16xi32>
      %add3A_92 = arith.addi %mul3A_91, %min3A_88 : vector<16xi32>
      %mul3A_93 = arith.constant 16 : i32
      %mul3A_94 = arith.muli %scan3A_73, %mul3A_93 : i32
      %swap3A = arith.index_cast %mul3A_94 : i32 to index
      %swap3A_95 = tpu.vector_load %arg6[%swap3A] {strides = array<i32>} : memref<15360xi32, #tpu.memory_space<vmem>>, vector<16xi32>,
      %swap3A_96 = vector.shape_cast %swap3A_95 : vector<16xi32> to vector<16xi32>
      %swap3A_97 = vector.shape_cast %add3A_92 : vector<16xi32> to vector<16xi32>
      tpu.vector_store %arg6[%swap3A], %swap3A_97 {strides = array<i32>} : memref<15360xi32, #tpu.memory_space<vmem>>, vector<16xi32>,
      %gt3A = arith.constant 0 : i32
      %gt3A_98 = vector.broadcast %gt3A : i32 to vector<16xi32>
      %gt3A_99 = arith.cmpi sgt, %get3A_77, %gt3A_98 : vector<16xi32>
      %jit3A = arith.constant 1.000000e+00 : f32
      %jit3A_100 = arith.constant 0.000000e+00 : f32
      %broadcast_in_dim3A = vector.broadcast %jit3A : f32 to vector<16xf32>
      %broadcast_in_dim3A_101 = vector.broadcast %jit3A_100 : f32 to vector<16xf32>
      %select_n3A = arith.select %gt3A_99, %broadcast_in_dim3A, %broadcast_in_dim3A_101 : vector<16xi1>, vector<16xf32>
      %mul3A_102 = arith.constant 16 : i32
      %mul3A_103 = arith.muli %scan3A_73, %mul3A_102 : i32
      %swap3A_104 = arith.index_cast %mul3A_103 : i32 to index
      %swap3A_105 = tpu.vector_load %arg7[%swap3A_104] {strides = array<i32>} : memref<15360xf32, #tpu.memory_space<vmem>>, vector<16xf32>,
      %swap3A_106 = vector.shape_cast %swap3A_105 : vector<16xf32> to vector<16xf32>
      %swap3A_107 = vector.shape_cast %select_n3A : vector<16xf32> to vector<16xf32>
      tpu.vector_store %arg7[%swap3A_104], %swap3A_107 {strides = array<i32>} : memref<15360xf32, #tpu.memory_space<vmem>>, vector<16xf32>,
    }
    %scan3A_29 = arith.constant 944 : i32
    %dma_start3A_30 = tpu.memref_slice %arg5[%mul3A_2] : memref<491520xf32, #tpu.memory_space<hbm>> -> memref<15360xf32, #tpu.memory_space<hbm>>
    %dma_start3A_31 = tpu.memref_slice %arg5[%mul3A_2] : memref<491520xf32, #tpu.memory_space<hbm>> -> memref<15360xf32, #tpu.memory_space<hbm>>
    tpu.enqueue_dma source(%arg7 : memref<15360xf32, #tpu.memory_space<vmem>>) target(%dma_start3A_31 : memref<15360xf32, #tpu.memory_space<hbm>>) target_semaphore(%arg15 : memref<!tpu.dma_semaphore, #tpu.memory_space<semaphore_mem>>)
    %scan3A_32 = arith.constant 0 : i32
    %scan3A_33 = arith.constant 0 : i32
    %scan3A_34 = arith.constant 59 : i32
    %scan3A_35 = arith.addi %scan3A_33, %scan3A_34 : i32
    %scan3A_36 = arith.constant 1 : i32
    scf.for %scan3A_73 = %scan3A_33 to %scan3A_35 step %scan3A_36  : i32 {
      %mul3A_74 = arith.constant 2 : i32
      %mul3A_75 = arith.muli %scan3A_73, %mul3A_74 : i32
      %dma_wait3A_76 = arith.constant 0 : i32
      %dma_wait3A_77 = tpu.memref_slice %arg6[%dma_wait3A_76] : memref<15360xi32, #tpu.memory_space<vmem>> -> memref<128xi32, #tpu.memory_space<vmem>>
      %dma_wait3A_78 = arith.constant 0 : i32
      %dma_wait3A_79 = arith.constant 0 : i32
      %dma_wait3A_80 = tpu.memref_slice %arg8[%dma_wait3A_78, %dma_wait3A_79] : memref<6240x128xf32, #tpu.memory_space<vmem_shared>> -> memref<6240x128xf32, #tpu.memory_space<vmem_shared>>
      tpu.wait_indirect_dma semaphore(%arg11 : memref<!tpu.dma_semaphore, #tpu.memory_space<semaphore_mem>>) src(%dma_wait3A_80 : memref<6240x128xf32, #tpu.memory_space<vmem_shared>>) dst(%arg9 : memref<128x128xf32, #tpu.memory_space<vmem>>)
      %add3A_81 = arith.constant 0 : i32
      %add3A_82 = arith.addi %mul3A_75, %add3A_81 : i32
      %mul3A_83 = arith.constant 128 : i32
      %mul3A_84 = arith.muli %add3A_82, %mul3A_83 : i32
      %add3A_85 = arith.addi %mul3A_2, %mul3A_84 : i32
      %dma_start3A_86 = arith.constant 0 : i32
      %dma_start3A_87 = tpu.memref_slice %arg4[%add3A_85, %dma_start3A_86] : memref<491520x128xf32, #tpu.memory_space<hbm>> -> memref<128x128xf32, #tpu.memory_space<hbm>>
      %dma_start3A_88 = arith.constant 0 : i32
      %dma_start3A_89 = tpu.memref_slice %arg4[%add3A_85, %dma_start3A_88] : memref<491520x128xf32, #tpu.memory_space<hbm>> -> memref<128x128xf32, #tpu.memory_space<hbm>>
      tpu.enqueue_dma source(%arg9 : memref<128x128xf32, #tpu.memory_space<vmem>>) target(%dma_start3A_89 : memref<128x128xf32, #tpu.memory_space<hbm>>) target_semaphore(%arg13 : memref<!tpu.dma_semaphore, #tpu.memory_space<semaphore_mem>>)
      %dma_wait3A_90 = arith.constant 0 : i32
      %dma_wait3A_91 = tpu.memref_slice %arg6[%dma_wait3A_90] : memref<15360xi32, #tpu.memory_space<vmem>> -> memref<128xi32, #tpu.memory_space<vmem>>
      %dma_wait3A_92 = arith.constant 0 : i32
      %dma_wait3A_93 = arith.constant 0 : i32
      %dma_wait3A_94 = tpu.memref_slice %arg8[%dma_wait3A_92, %dma_wait3A_93] : memref<6240x128xf32, #tpu.memory_space<vmem_shared>> -> memref<6240x128xf32, #tpu.memory_space<vmem_shared>>
      tpu.wait_indirect_dma semaphore(%arg12 : memref<!tpu.dma_semaphore, #tpu.memory_space<semaphore_mem>>) src(%dma_wait3A_94 : memref<6240x128xf32, #tpu.memory_space<vmem_shared>>) dst(%arg10 : memref<128x128xf32, #tpu.memory_space<vmem>>)
      %add3A_95 = arith.constant 1 : i32
      %add3A_96 = arith.addi %mul3A_75, %add3A_95 : i32
      %mul3A_97 = arith.constant 128 : i32
      %mul3A_98 = arith.muli %add3A_96, %mul3A_97 : i32
      %add3A_99 = arith.addi %mul3A_2, %mul3A_98 : i32
      %dma_start3A_100 = arith.constant 0 : i32
      %dma_start3A_101 = tpu.memref_slice %arg4[%add3A_99, %dma_start3A_100] : memref<491520x128xf32, #tpu.memory_space<hbm>> -> memref<128x128xf32, #tpu.memory_space<hbm>>
      %dma_start3A_102 = arith.constant 0 : i32
      %dma_start3A_103 = tpu.memref_slice %arg4[%add3A_99, %dma_start3A_102] : memref<491520x128xf32, #tpu.memory_space<hbm>> -> memref<128x128xf32, #tpu.memory_space<hbm>>
      tpu.enqueue_dma source(%arg10 : memref<128x128xf32, #tpu.memory_space<vmem>>) target(%dma_start3A_103 : memref<128x128xf32, #tpu.memory_space<hbm>>) target_semaphore(%arg14 : memref<!tpu.dma_semaphore, #tpu.memory_space<semaphore_mem>>)
      %add3A_104 = arith.constant 0 : i32
      %add3A_105 = arith.addi %mul3A_75, %add3A_104 : i32
      %mul3A_106 = arith.constant 128 : i32
      %mul3A_107 = arith.muli %add3A_105, %mul3A_106 : i32
      %add3A_108 = arith.addi %mul3A_2, %mul3A_107 : i32
      %dma_wait3A_109 = arith.constant 0 : i32
      %dma_wait3A_110 = tpu.memref_slice %arg4[%add3A_108, %dma_wait3A_109] : memref<491520x128xf32, #tpu.memory_space<hbm>> -> memref<128x128xf32, #tpu.memory_space<hbm>>
      %dma_wait3A_111 = arith.constant 0 : i32
      %dma_wait3A_112 = tpu.memref_slice %arg4[%add3A_108, %dma_wait3A_111] : memref<491520x128xf32, #tpu.memory_space<hbm>> -> memref<128x128xf32, #tpu.memory_space<hbm>>
      tpu.wait_dma2 semaphore(%arg13 : memref<!tpu.dma_semaphore, #tpu.memory_space<semaphore_mem>>) src(%arg9 : memref<128x128xf32, #tpu.memory_space<vmem>>) dst(%dma_wait3A_112 : memref<128x128xf32, #tpu.memory_space<hbm>>)
      %add3A_113 = arith.constant 2 : i32
      %add3A_114 = arith.addi %mul3A_75, %add3A_113 : i32
      %add3A_115 = arith.constant 0 : i32
      %add3A_116 = arith.addi %add3A_114, %add3A_115 : i32
      %mul3A_117 = arith.constant 128 : i32
      %mul3A_118 = arith.muli %add3A_116, %mul3A_117 : i32
      %dma_start3A_119 = tpu.memref_slice %arg6[%mul3A_118] : memref<15360xi32, #tpu.memory_space<vmem>> -> memref<128xi32, #tpu.memory_space<vmem>>
      %dma_start3A_120 = arith.constant 0 : i32
      %dma_start3A_121 = arith.constant 0 : i32
      %dma_start3A_122 = tpu.memref_slice %arg8[%dma_start3A_120, %dma_start3A_121] : memref<6240x128xf32, #tpu.memory_space<vmem_shared>> -> memref<6240x128xf32, #tpu.memory_space<vmem_shared>>
      tpu.enqueue_indirect_dma source(%dma_start3A_122 : memref<6240x128xf32, #tpu.memory_space<vmem_shared>>) target(%arg9 : memref<128x128xf32, #tpu.memory_space<vmem>>) offsets(%dma_start3A_119 : memref<128xi32, #tpu.memory_space<vmem>>) semaphore(%arg11 : memref<!tpu.dma_semaphore, #tpu.memory_space<semaphore_mem>>)
      %add3A_123 = arith.constant 1 : i32
      %add3A_124 = arith.addi %mul3A_75, %add3A_123 : i32
      %mul3A_125 = arith.constant 128 : i32
      %mul3A_126 = arith.muli %add3A_124, %mul3A_125 : i32
      %add3A_127 = arith.addi %mul3A_2, %mul3A_126 : i32
      %dma_wait3A_128 = arith.constant 0 : i32
      %dma_wait3A_129 = tpu.memref_slice %arg4[%add3A_127, %dma_wait3A_128] : memref<491520x128xf32, #tpu.memory_space<hbm>> -> memref<128x128xf32, #tpu.memory_space<hbm>>
      %dma_wait3A_130 = arith.constant 0 : i32
      %dma_wait3A_131 = tpu.memref_slice %arg4[%add3A_127, %dma_wait3A_130] : memref<491520x128xf32, #tpu.memory_space<hbm>> -> memref<128x128xf32, #tpu.memory_space<hbm>>
      tpu.wait_dma2 semaphore(%arg14 : memref<!tpu.dma_semaphore, #tpu.memory_space<semaphore_mem>>) src(%arg10 : memref<128x128xf32, #tpu.memory_space<vmem>>) dst(%dma_wait3A_131 : memref<128x128xf32, #tpu.memory_space<hbm>>)
      %add3A_132 = arith.constant 2 : i32
      %add3A_133 = arith.addi %mul3A_75, %add3A_132 : i32
      %add3A_134 = arith.constant 1 : i32
      %add3A_135 = arith.addi %add3A_133, %add3A_134 : i32
      %mul3A_136 = arith.constant 128 : i32
      %mul3A_137 = arith.muli %add3A_135, %mul3A_136 : i32
      %dma_start3A_138 = tpu.memref_slice %arg6[%mul3A_137] : memref<15360xi32, #tpu.memory_space<vmem>> -> memref<128xi32, #tpu.memory_space<vmem>>
      %dma_start3A_139 = arith.constant 0 : i32
      %dma_start3A_140 = arith.constant 0 : i32
      %dma_start3A_141 = tpu.memref_slice %arg8[%dma_start3A_139, %dma_start3A_140] : memref<6240x128xf32, #tpu.memory_space<vmem_shared>> -> memref<6240x128xf32, #tpu.memory_space<vmem_shared>>
      tpu.enqueue_indirect_dma source(%dma_start3A_141 : memref<6240x128xf32, #tpu.memory_space<vmem_shared>>) target(%arg10 : memref<128x128xf32, #tpu.memory_space<vmem>>) offsets(%dma_start3A_138 : memref<128xi32, #tpu.memory_space<vmem>>) semaphore(%arg12 : memref<!tpu.dma_semaphore, #tpu.memory_space<semaphore_mem>>)
    }
    %scan3A_37 = arith.constant 59 : i32
    %dma_wait3A = arith.constant 0 : i32
    %dma_wait3A_38 = tpu.memref_slice %arg6[%dma_wait3A] : memref<15360xi32, #tpu.memory_space<vmem>> -> memref<128xi32, #tpu.memory_space<vmem>>
    %dma_wait3A_39 = arith.constant 0 : i32
    %dma_wait3A_40 = arith.constant 0 : i32
    %dma_wait3A_41 = tpu.memref_slice %arg8[%dma_wait3A_39, %dma_wait3A_40] : memref<6240x128xf32, #tpu.memory_space<vmem_shared>> -> memref<6240x128xf32, #tpu.memory_space<vmem_shared>>
    tpu.wait_indirect_dma semaphore(%arg11 : memref<!tpu.dma_semaphore, #tpu.memory_space<semaphore_mem>>) src(%dma_wait3A_41 : memref<6240x128xf32, #tpu.memory_space<vmem_shared>>) dst(%arg9 : memref<128x128xf32, #tpu.memory_space<vmem>>)
    %add3A_42 = arith.constant 15104 : i32
    %add3A_43 = arith.addi %mul3A_2, %add3A_42 : i32
    %dma_start3A_44 = arith.constant 0 : i32
    %dma_start3A_45 = tpu.memref_slice %arg4[%add3A_43, %dma_start3A_44] : memref<491520x128xf32, #tpu.memory_space<hbm>> -> memref<128x128xf32, #tpu.memory_space<hbm>>
    %dma_start3A_46 = arith.constant 0 : i32
    %dma_start3A_47 = tpu.memref_slice %arg4[%add3A_43, %dma_start3A_46] : memref<491520x128xf32, #tpu.memory_space<hbm>> -> memref<128x128xf32, #tpu.memory_space<hbm>>
    tpu.enqueue_dma source(%arg9 : memref<128x128xf32, #tpu.memory_space<vmem>>) target(%dma_start3A_47 : memref<128x128xf32, #tpu.memory_space<hbm>>) target_semaphore(%arg13 : memref<!tpu.dma_semaphore, #tpu.memory_space<semaphore_mem>>)
    %dma_wait3A_48 = arith.constant 0 : i32
    %dma_wait3A_49 = tpu.memref_slice %arg6[%dma_wait3A_48] : memref<15360xi32, #tpu.memory_space<vmem>> -> memref<128xi32, #tpu.memory_space<vmem>>
    %dma_wait3A_50 = arith.constant 0 : i32
    %dma_wait3A_51 = arith.constant 0 : i32
    %dma_wait3A_52 = tpu.memref_slice %arg8[%dma_wait3A_50, %dma_wait3A_51] : memref<6240x128xf32, #tpu.memory_space<vmem_shared>> -> memref<6240x128xf32, #tpu.memory_space<vmem_shared>>
    tpu.wait_indirect_dma semaphore(%arg12 : memref<!tpu.dma_semaphore, #tpu.memory_space<semaphore_mem>>) src(%dma_wait3A_52 : memref<6240x128xf32, #tpu.memory_space<vmem_shared>>) dst(%arg10 : memref<128x128xf32, #tpu.memory_space<vmem>>)
    %add3A_53 = arith.constant 15232 : i32
    %add3A_54 = arith.addi %mul3A_2, %add3A_53 : i32
    %dma_start3A_55 = arith.constant 0 : i32
    %dma_start3A_56 = tpu.memref_slice %arg4[%add3A_54, %dma_start3A_55] : memref<491520x128xf32, #tpu.memory_space<hbm>> -> memref<128x128xf32, #tpu.memory_space<hbm>>
    %dma_start3A_57 = arith.constant 0 : i32
    %dma_start3A_58 = tpu.memref_slice %arg4[%add3A_54, %dma_start3A_57] : memref<491520x128xf32, #tpu.memory_space<hbm>> -> memref<128x128xf32, #tpu.memory_space<hbm>>
    tpu.enqueue_dma source(%arg10 : memref<128x128xf32, #tpu.memory_space<vmem>>) target(%dma_start3A_58 : memref<128x128xf32, #tpu.memory_space<hbm>>) target_semaphore(%arg14 : memref<!tpu.dma_semaphore, #tpu.memory_space<semaphore_mem>>)
    %add3A_59 = arith.constant 15104 : i32
    %add3A_60 = arith.addi %mul3A_2, %add3A_59 : i32
    %dma_wait3A_61 = arith.constant 0 : i32
    %dma_wait3A_62 = tpu.memref_slice %arg4[%add3A_60, %dma_wait3A_61] : memref<491520x128xf32, #tpu.memory_space<hbm>> -> memref<128x128xf32, #tpu.memory_space<hbm>>
    %dma_wait3A_63 = arith.constant 0 : i32
    %dma_wait3A_64 = tpu.memref_slice %arg4[%add3A_60, %dma_wait3A_63] : memref<491520x128xf32, #tpu.memory_space<hbm>> -> memref<128x128xf32, #tpu.memory_space<hbm>>
    tpu.wait_dma2 semaphore(%arg13 : memref<!tpu.dma_semaphore, #tpu.memory_space<semaphore_mem>>) src(%arg9 : memref<128x128xf32, #tpu.memory_space<vmem>>) dst(%dma_wait3A_64 : memref<128x128xf32, #tpu.memory_space<hbm>>)
    %add3A_65 = arith.constant 15232 : i32
    %add3A_66 = arith.addi %mul3A_2, %add3A_65 : i32
    %dma_wait3A_67 = arith.constant 0 : i32
    %dma_wait3A_68 = tpu.memref_slice %arg4[%add3A_66, %dma_wait3A_67] : memref<491520x128xf32, #tpu.memory_space<hbm>> -> memref<128x128xf32, #tpu.memory_space<hbm>>
    %dma_wait3A_69 = arith.constant 0 : i32
    %dma_wait3A_70 = tpu.memref_slice %arg4[%add3A_66, %dma_wait3A_69] : memref<491520x128xf32, #tpu.memory_space<hbm>> -> memref<128x128xf32, #tpu.memory_space<hbm>>
    tpu.wait_dma2 semaphore(%arg14 : memref<!tpu.dma_semaphore, #tpu.memory_space<semaphore_mem>>) src(%arg10 : memref<128x128xf32, #tpu.memory_space<vmem>>) dst(%dma_wait3A_70 : memref<128x128xf32, #tpu.memory_space<hbm>>)
    %dma_wait3A_71 = tpu.memref_slice %arg5[%mul3A_2] : memref<491520xf32, #tpu.memory_space<hbm>> -> memref<15360xf32, #tpu.memory_space<hbm>>
    %dma_wait3A_72 = tpu.memref_slice %arg5[%mul3A_2] : memref<491520xf32, #tpu.memory_space<hbm>> -> memref<15360xf32, #tpu.memory_space<hbm>>
    tpu.wait_dma2 semaphore(%arg15 : memref<!tpu.dma_semaphore, #tpu.memory_space<semaphore_mem>>) src(%arg7 : memref<15360xf32, #tpu.memory_space<vmem>>) dst(%dma_wait3A_72 : memref<15360xf32, #tpu.memory_space<hbm>>)
    return
  }
}

module attributes {stable_mosaic.version = 14 : i64} {
  func.func @_lut_body(%arg0: memref<30x128xf32, #tpu.memory_space<vmem>>, %arg1: memref<30x128xf32, #tpu.memory_space<vmem>>, %arg2: memref<208x128xf32, #tpu.memory_space<vmem>>, %arg3: memref<1x128xf32, #tpu.memory_space<vmem>>, %arg4: memref<1x128xf32, #tpu.memory_space<vmem>>, %arg5: memref<30x208x128xf32, #tpu.memory_space<vmem>>) attributes {dimension_semantics = [], scalar_prefetch = 0 : i64, scratch_operands = 0 : i64, tpu.core_type = #tpu.core_type<tc>} {
    %get3A = arith.constant 0 : index
    %get3A_0 = arith.constant 0 : index
    %get3A_1 = vector.load %arg0[%get3A, %get3A_0] : memref<30x128xf32, #tpu.memory_space<vmem>>, vector<30x128xf32>
    %get3A_2 = arith.constant 0 : index
    %get3A_3 = arith.constant 0 : index
    %get3A_4 = vector.load %arg1[%get3A_2, %get3A_3] : memref<30x128xf32, #tpu.memory_space<vmem>>, vector<30x128xf32>
    %add3A = arith.addf %get3A_1, %get3A_4 : vector<30x128xf32>
    %get3A_5 = arith.constant 0 : index
    %get3A_6 = arith.constant 0 : index
    %get3A_7 = vector.load %arg2[%get3A_5, %get3A_6] : memref<208x128xf32, #tpu.memory_space<vmem>>, vector<208x128xf32>
    %broadcast_in_dim3A = vector.shape_cast %add3A : vector<30x128xf32> to vector<30x1x128xf32>
    %broadcast_in_dim3A_8 = vector.shape_cast %get3A_7 : vector<208x128xf32> to vector<1x208x128xf32>
    %add3A_9 = vector.broadcast %broadcast_in_dim3A : vector<30x1x128xf32> to vector<30x208x128xf32>
    %add3A_10 = vector.broadcast %broadcast_in_dim3A_8 : vector<1x208x128xf32> to vector<30x208x128xf32>
    %add3A_11 = arith.addf %add3A_9, %add3A_10 : vector<30x208x128xf32>
    %reduce_sum3A = arith.constant dense<0.000000e+00> : vector<30x208xf32>
    %reduce_sum3A_12 = vector.multi_reduction <add>, %add3A_11, %reduce_sum3A [2] : vector<30x208x128xf32> to vector<30x208xf32>
    %broadcast_in_dim3A_13 = vector.shape_cast %reduce_sum3A_12 : vector<30x208xf32> to vector<30x208x1xf32>
    %div3A = arith.constant 1.280000e+02 : f32
    %div3A_14 = vector.broadcast %div3A : f32 to vector<30x208x1xf32>
    %div3A_15 = arith.divf %broadcast_in_dim3A_13, %div3A_14 : vector<30x208x1xf32>
    %sub3A = vector.broadcast %div3A_15 : vector<30x208x1xf32> to vector<30x208x128xf32>
    %sub3A_16 = arith.subf %add3A_11, %sub3A : vector<30x208x128xf32>
    %mul3A = arith.mulf %sub3A_16, %sub3A_16 : vector<30x208x128xf32>
    %reduce_sum3A_17 = arith.constant dense<0.000000e+00> : vector<30x208xf32>
    %reduce_sum3A_18 = vector.multi_reduction <add>, %mul3A, %reduce_sum3A_17 [2] : vector<30x208x128xf32> to vector<30x208xf32>
    %broadcast_in_dim3A_19 = vector.shape_cast %reduce_sum3A_18 : vector<30x208xf32> to vector<30x208x1xf32>
    %div3A_20 = arith.constant 1.280000e+02 : f32
    %div3A_21 = vector.broadcast %div3A_20 : f32 to vector<30x208x1xf32>
    %div3A_22 = arith.divf %broadcast_in_dim3A_19, %div3A_21 : vector<30x208x1xf32>
    %add3A_23 = arith.constant 9.99999974E-6 : f32
    %add3A_24 = vector.broadcast %add3A_23 : f32 to vector<30x208x1xf32>
    %add3A_25 = arith.addf %div3A_22, %add3A_24 : vector<30x208x1xf32>
    %rsqrt3A = math.rsqrt %add3A_25 : vector<30x208x1xf32>
    %mul3A_26 = vector.broadcast %rsqrt3A : vector<30x208x1xf32> to vector<30x208x128xf32>
    %mul3A_27 = arith.mulf %sub3A_16, %mul3A_26 : vector<30x208x128xf32>
    %get3A_28 = arith.constant 0 : index
    %get3A_29 = arith.constant 0 : index
    %get3A_30 = vector.load %arg3[%get3A_28, %get3A_29] : memref<1x128xf32, #tpu.memory_space<vmem>>, vector<1x128xf32>
    %broadcast_in_dim3A_31 = vector.shape_cast %get3A_30 : vector<1x128xf32> to vector<1x1x128xf32>
    %mul3A_32 = vector.broadcast %broadcast_in_dim3A_31 : vector<1x1x128xf32> to vector<30x208x128xf32>
    %mul3A_33 = arith.mulf %mul3A_27, %mul3A_32 : vector<30x208x128xf32>
    %get3A_34 = arith.constant 0 : index
    %get3A_35 = arith.constant 0 : index
    %get3A_36 = vector.load %arg4[%get3A_34, %get3A_35] : memref<1x128xf32, #tpu.memory_space<vmem>>, vector<1x128xf32>
    %broadcast_in_dim3A_37 = vector.shape_cast %get3A_36 : vector<1x128xf32> to vector<1x1x128xf32>
    %add3A_38 = vector.broadcast %broadcast_in_dim3A_37 : vector<1x1x128xf32> to vector<30x208x128xf32>
    %add3A_39 = arith.addf %mul3A_33, %add3A_38 : vector<30x208x128xf32>
    %swap3A = arith.constant 0 : index
    %swap3A_40 = arith.constant 0 : index
    %swap3A_41 = arith.constant 0 : index
    %swap3A_42 = vector.load %arg5[%swap3A, %swap3A_40, %swap3A_41] : memref<30x208x128xf32, #tpu.memory_space<vmem>>, vector<30x208x128xf32>
    tpu.vector_store %arg5[%swap3A, %swap3A_40, %swap3A_41], %add3A_39 {strides = array<i32>} : memref<30x208x128xf32, #tpu.memory_space<vmem>>, vector<30x208x128xf32>,
    return
  }
}

</mosaic_0001>

<sc_bundles>
// kernel: kernel.4.cloned.1.call-start
scs
__scs_entry_jumppad:
0x0: {  	(pc) =	sbr.rel $0x88, $3  }
0x1: {  	(tag) =	ssettag $0x0;
	lr =	simm.s32 $0x1  }
0x2: {  	[smem:$0x3F9B] =	sst lr;
	_ =	strace $0xD0000000  }
0x3: {  	_ = 	snop  }
0x4: {  	_ = 	snop  }
0x5: {  	_ = 	snop  }
0x6: {  	_ = 	snop  }
0x7: {  	_ = 	snop  }
__scs_overlays_trampoline_lowered:
0x8: {  	[smem:$0x3FAA] =	sst s0  }
0x9: {  	[smem:$0x3FAB] =	sst s1  }
0xa: {  	[smem:$0x3FAC] =	sst s2  }
0xb: {  	[smem:$0x3FAD] =	sst s3  }
0xc: {  	[smem:$0x3FAE] =	sst s4  }
0xd: {  	[smem:$0x3FAF] =	sst s5  }
0xe: {  	[smem:$0x3FB0] =	sst s6  }
0xf: {  	[smem:$0x3FB1] =	sst s7  }
0x10: {  	[smem:$0x3FB2] =	sst s8  }
0x11: {  	[smem:$0x3FB3] =	sst s9;
	s0 =	simm.s32 @!p0 $0x0  }
0x12: {  	s1 =	sld [smem:$0x3F99];
	s0 =	simm.s32 @p0 $0x1  }
0x13: {  	[smem:$0x3FB4] =	sst s0;
	s0 =	simm.s32 @!p1 $0x0  }
0x14: {  	s2 =	sld [smem:$0x3F98];
	s0 =	simm.s32 @p1 $0x1  }
0x15: {  	[smem:$0x3FB5] =	sst s0;
	s0 =	simm.s32 @!p2 $0x0  }
0x16: {  	s3 =	sld [smem:$0x3FDB];
	s0 =	simm.s32 @p2 $0x1  }
0x17: {  	s4 =	simm.s32 $0x1BF5;
	[smem:$0x3FB7] =	sst s0  }
0x18: {  	s0 =	sld [smem:$0x3F9A];
	_ =	swait.ge [sflag:s4], $0x0  }
0x19: {  	s7 =	sld [smem:$0x3F9B]  }
0x1a: {  	s8 =	sadd.s32 $0xFFFFE003, lr  }
0x1b: {  	s9 =	sadd.s32 $0xFFFFFEF7, lr;
	s5 =	simm.s32 $0xFFFFFFFF;
	p2 =	slt.u32 s8, $0xFFFFF086  }
0x1c: {  	p1 =	slt.u32 s9, $0xF7A;
	s5 =	simm.s32 @!p2 $0x0  }
0x1d: {  	s5 =	simm.s32 @p1 $0x1;
	p0 =	seq.s32 s7, s2  }
0x1e: {  	s7 =	smul.u32 @!p0 $0xF7A, s2;
	p2 =	seq.s32 @!p0 s5, $0x0  }
0x1f: {  	s9 =	smul.u32 $0xF7A, s1;
	s8 =	simm.s32 @!p0 $0x1BF5;
	p2 =	por !p2, p0  }
0x20: {  	[sflag:s8] =	ssyncset.s32 @!p0 $0xFFFFF086;
	s6 =	sadd.s32 @!p0 s3, s7;
	s7 =	simm.s32 @!p0 $0x108  }
0x21: {  	s3 =	sadd.s32 s3, s9;
	s6 =	sadd.s32 @!p0 $0x88, s6;
	s7 =	simm.s32 @p2 $0x1082  }
0x22: {  	[simem:s7], [sflag:s8] =	dma.local @!p0 [hbm:s6], $0xF7A  }
0x23: {  	s9 =	sor.u32 $0xD0000000, s2;
	s6 =	simm.s32 $0x108;
	_ =	swait.ge @!p0 [sflag:s8], $0x0  }
0x24: {  	s3 =	sadd.s32 $0x88, s3;
	s6 =	simm.s32 @!p1 $0x1082;
	[sflag:s4] =	ssyncset.s32 $0xFFFFF086  }
0x25: {  	[simem:s6], [sflag:s4] =	dma.local [hbm:s3], $0xF7A  }
0x26: {  	[smem:$0x3F9B] =	sst s1;
	(tag) =	ssettag s2;
	_ =	strace s9  }
0x27: {  	s1 =	sld [smem:$0x3FAB]  }
0x28: {  	s2 =	sld [smem:$0x3FAC]  }
0x29: {  	s4 =	sld [smem:$0x3FAE]  }
0x2a: {  	p0 =	seq.s32 s5, $0x0;
	s5 =	sld [smem:$0x3FAF]  }
0x2b: {  	s6 =	sld [smem:$0x3FB0]  }
0x2c: {  	s7 =	sld [smem:$0x3FB1]  }
0x2d: {  	s3 =	simm.s32 $0x108;
	s8 =	sld [smem:$0x3FB2]  }
0x2e: {  	s3 =	simm.s32 @!p0 $0x1082;
	s9 =	sld [smem:$0x3FB3]  }
0x2f: {  	lr =	sadd.s32 s0, s3;
	s0 =	sld [smem:$0x3FAA]  }
0x30: {  	s3 =	sld [smem:$0x3FAD]  }
0x31: {  	[smem:$0x3FB6] =	sst s10  }
0x32: {  	s10 =	sld [smem:$0x3FB4];
	_ =	sdelay $0x3  }
0x33: {  	p0 =	seq.s32 s10, $0x1;
	s10 =	sld [smem:$0x3FB6];
	_ =	sdelay $0x3  }
0x34: {  	[smem:$0x3FB6] =	sst s10  }
0x35: {  	s10 =	sld [smem:$0x3FB5];
	_ =	sdelay $0x3  }
0x36: {  	p1 =	seq.s32 s10, $0x1;
	s10 =	sld [smem:$0x3FB6];
	_ =	sdelay $0x3  }
0x37: {  	[smem:$0x3FB6] =	sst s10  }
0x38: {  	s10 =	sld [smem:$0x3FB7]  }
0x39: {  	_ = 	snop;
	(pc) =	sbr.ind lr, $3  }
0x3a: {  	_ = 	snop  }
0x3b: {  	_ = 	snop  }
0x3c: {  	p2 =	seq.s32 s10, $0x1;
	s10 =	sld [smem:$0x3FB6]  }
0x3d: {  	_ =	shalt  }
0x3e: {  	_ =	shalt  }
0x3f: {  	_ =	shalt  }
0x40: {  	_ =	shalt  }
0x41: {  	_ =	shalt  }
0x42: {  	_ =	shalt  }
0x43: {  	_ =	shalt  }
0x44: {  	_ =	shalt  }
0x45: {  	_ =	shalt  }
0x46: {  	_ =	shalt  }
0x47: {  	_ =	shalt  }
0x48: {  	_ =	shalt  }
0x49: {  	_ =	shalt  }
0x4a: {  	_ =	shalt  }
0x4b: {  	_ =	shalt  }
0x4c: {  	_ =	shalt  }
0x4d: {  	_ =	shalt  }
0x4e: {  	_ =	shalt  }
0x4f: {  	_ =	shalt  }
0x50: {  	_ =	shalt  }
0x51: {  	_ =	shalt  }
0x52: {  	_ =	shalt  }
0x53: {  	_ =	shalt  }
0x54: {  	_ =	shalt  }
0x55: {  	_ =	shalt  }
0x56: {  	_ =	shalt  }
0x57: {  	_ =	shalt  }
0x58: {  	_ =	shalt  }
0x59: {  	_ =	shalt  }
0x5a: {  	_ =	shalt  }
0x5b: {  	_ =	shalt  }
0x5c: {  	_ =	shalt  }
0x5d: {  	_ =	shalt  }
0x5e: {  	_ =	shalt  }
0x5f: {  	_ =	shalt  }
0x60: {  	_ =	shalt  }
0x61: {  	_ =	shalt  }
0x62: {  	_ =	shalt  }
0x63: {  	_ =	shalt  }
0x64: {  	_ =	shalt  }
0x65: {  	_ =	shalt  }
0x66: {  	_ =	shalt  }
0x67: {  	_ =	shalt  }
0x68: {  	_ =	shalt  }
0x69: {  	_ =	shalt  }
0x6a: {  	_ =	shalt  }
0x6b: {  	_ =	shalt  }
0x6c: {  	_ =	shalt  }
0x6d: {  	_ =	shalt  }
0x6e: {  	_ =	shalt  }
0x6f: {  	_ =	shalt  }
0x70: {  	_ =	shalt  }
0x71: {  	_ =	shalt  }
0x72: {  	_ =	shalt  }
0x73: {  	_ =	shalt  }
0x74: {  	_ =	shalt  }
0x75: {  	_ =	shalt  }
0x76: {  	_ =	shalt  }
0x77: {  	_ =	shalt  }
0x78: {  	_ =	shalt  }
0x79: {  	_ =	shalt  }
0x7a: {  	_ =	shalt  }
0x7b: {  	_ =	shalt  }
0x7c: {  	_ =	shalt  }
0x7d: {  	_ =	shalt  }
0x7e: {  	_ =	shalt  }
0x7f: {  	_ =	shalt  }
0x80: {  	_ =	shalt  }
0x81: {  	_ =	shalt  }
0x82: {  	_ =	shalt  }
0x83: {  	_ =	shalt  }
0x84: {  	_ =	shalt  }
0x85: {  	_ =	shalt  }
0x86: {  	_ =	shalt  }
0x87: {  	_ =	shalt  }
.Lfunc_end0:
.L_simem_size_0:
called_computation_lowered:
.L_overlay_start_0:
0x88: {  	s2 =	sld [smem:$0x3FD9]  }
0x89: {  	s3 =	sld [smem:$0x3FFE];
	_ =	sdelay $0x1  }
0x8a: {  	s1 =	srdreg.scid  }
0x8b: {  	s0 =	sand.u32 $0x1, s1  }
0x8c: {  	s14 =	sshll.u32 s0, $0xA;
	s2 =	sadd.s32 s3, s2  }
0x8d: {  	s2 =	sadd.s32 s2, s14  }
0x8e: {  	[smem:$0x3FC2] =	sst s2  }
0x8f: {  	_ = 	snop  }
0x90: {  	s2 =	sld [smem:$0x3FD0];
	_ =	sdelay $0x2  }
0x91: {  	s15 =	simm.s32 $0xA;
	s4 =	simm.s32 $0x10  }
0x92: {  	[smem:s4], [sflag:s15] =	dma.local [hbm:s2], $0x1  }
0x93: {  	_ =	swait.eq [sflag:s15], $0x1  }
0x94: {  	[sflag:s15] =	ssyncset.done $0x0  }
0x95: {  	s16 =	sld [smem:$0x10];
	[sflag:s15] =	ssyncadd.s32 $0xFFFFFFFF  }
0x96: {  	s17 =	sld [smem:$0x11];
	(tm) =	ssettm $0x1  }
0x97: {  	s18 =	sld [smem:$0x3FFB];
	_ =	sdelay $0x3  }
0x98: {  	_ =	strace s18  }
0x99: {  	s4 =	sld [smem:$0x3FFC];
	_ =	sdelay $0x3  }
0x9a: {  	_ =	strace s4  }
0x9b: {  	s4 =	sld [smem:$0x3FFD];
	_ =	sdelay $0x3  }
0x9c: {  	_ =	strace s4  }
0x9d: {  	_ =	strace $0x8FFFFFFF  }
0x9e: {  	s19 =	sld [smem:$0x3FDB];
	_ =	sdelay $0x1  }
0x9f: {  	s5 =	simm.s32 $_scs_section_size  }
0xa0: {  	s6 =	simm.s32 $_size__tile_overlayer_lowered;
	s7 =	simm.s32 $_tile_overlayer_lowered  }
0xa1: {  	s22 =	simm.s32 $0x1BFF;
	s21 =	sshll.u32 s7, $0x1;
	s4 =	sadd.s32 s5, s19  }
0xa2: {  	s8 =	simm.s32 $0x0;
	s20 =	sshll.u32 s6, $0x1;
	s6 =	sadd.s32 s21, s4  }
0xa3: {  	[timem:s8], [sflag:s22] =	dma.local [hbm:s6], s20  }
0xa4: {  	_ =	swait.ge [sflag:s22], s20  }
0xa5: {  	s5 =	ssub.s32 $0x0, s20;
	[sflag:s22] =	ssyncset.done $0x0  }
0xa6: {  	[sflag:s22] =	ssyncadd.s32 s5;
	_ =	sdelay $0x1  }
0xa7: {  	s23 =	simm.s32 $0x1B8B  }
0xa8: {  	_ =	swait.ge [sflag:s23], $0x1  }
0xa9: {  	[sflag:s23] =	ssyncset.done $0x0  }
0xaa: {  	s25 =	simm.s32 $0x1B8E;
	s24 =	sld [smem:$0x3FFE];
	[sflag:s23] =	ssyncadd.s32 $0xFFFFFFFF  }
0xab: {  	s26 =	simm.s32 $execute0_lowered;
	[smem:$0x3FD2] =	sst s25  }
0xac: {  	s6 =	sshll.u32 s26, $0x1;
	_ =	strace $0x80000046;
	[dreg:$0x1] =	wrdreg $0xFFFFFFFF  }
0xad: {  	s28 =	simm.s32 $_size_execute0_lowered;
	s4 =	sadd.s32 s4, s6;
	[dreg:$0x0] =	wrdreg $0x0  }
0xae: {  	s6 =	sshll.u32 s28, $0x1;
	[dreg:$0x2] =	wrdreg s4  }
0xaf: {  	[dreg:$0x3] =	wrdreg s6  }
0xb0: {  	[dreg:$0x4] =	wrdreg $0xC0  }
0xb1: {  	_ =	task [dreg:s8], $0x5FFFF  }
0xb2: {  	[dreg:$0x1] =	wrdreg $0xFFFFFFFF  }
0xb3: {  	[dreg:$0x0] =	wrdreg $0x60  }
0xb4: {  	[dreg:$0x2] =	wrdreg s17  }
0xb5: {  	[dreg:$0x3] =	wrdreg s24  }
0xb6: {  	[dreg:$0x4] =	wrdreg s16  }
0xb7: {  	[dreg:$0x5] =	wrdreg $0x78000  }
0xb8: {  	[dreg:$0x6] =	wrdreg $0x9  }
0xb9: {  	_ =	task.clear_ibuf [dreg:s8], $0x7FFFF;
	_ =	strace $0x90000046  }
0xba: {  	s29 =	simm.s32 $0x9;
	_ =	strace $0x80000048  }
0xbb: {  	_ =	swait.ge [sflag:s29], $0x1  }
0xbc: {  	[sflag:s29] =	ssyncadd.s32 $0xFFFFFFFF  }
0xbd: {  	_ =	strace $0x90000048  }
0xbe: {  	_ =	sfence  }
0xbf: {  	s30 =	sld [smem:$0x0];
	_ =	sdelay $0x2  }
0xc0: {  	s31 =	sshll.u32 s1, $0xD;
	s1 =	sshrl.u32 s1, $0x2  }
0xc1: {  	s3 =	sand.u32 $0x4000, s31;
	s1 =	sadd.s32 s1, s30  }
0xc2: {  	s0 =	sor.u32 s3, s0;
	s1 =	sshll.u32 s1, $0x11  }
0xc3: {  	s0 =	sor.u32 s1, s0  }
0xc4: {  	s0 =	sadd.s32 $0x8F2B, s0  }
0xc5: {  	[sflag:s0] =	ssyncadd.remote.s32 $0x1  }
0xc6: {  	_ =	sfence.sel $0xFFFF  }
0xc7: {  	[dreg:$0x0] =	wrdreg $0xFFFFFFFF;
	(pc) =	sbr.abs _section_cstart, $3  }
0xc8: {  	[dreg:$0x1] =	wrdreg $0xFFFFFFFF  }
0xc9: {  	_ =	task.clear_ibuf [dreg:s8], $0x2FFFF;
	_ =	strace $0x9FFFFFFF  }
0xca: {  	(tm) =	ssettm $0x7FFFFFFF  }
0xcb: {  	_ =	shalt  }
tec
execute0_lowered:
.L_overlay_start_1:
0x0: {  	(tag) =	ssettag $0x1  }
0x1: {  	s4 =	rddreg [dreg:$0x0]  }
0x2: {  	s5 =	rddreg [dreg:$0x1]  }
0x3: {  	s12 =	rddreg [dreg:$0x2];
	s0 =	srdreg.scid  }
0x4: {  	s13 =	stileid.u32;
	s1 =	rddreg [dreg:$0x3];
	s2 =	simm.s32 $0x0  }
0x5: {  	s18 =	simm.s32 $0x3C00;
	s19 =	simm.s32 $0x1;
	s20 =	simm.s32 $0x2  }
0x6: {  	s21 =	simm.s32 $0x3;
	s22 =	simm.s32 $0x4;
	s10 =	smul.u32 $0x7800, s13  }
0x7: {  	s23 =	simm.s32 $0x5;
	s24 =	simm.s32 $0x0;
	s29 =	smul.u32 $0x78000, s13  }
0x8: {  	s9 =	sand.u32 $0x1, s0;
	s0 =	rddreg [dreg:$0x4];
	s15 =	smul.u32 $0x3C0000, s13  }
0x9: {  	s3 =	sshll.u32 s13, $0x1;
	[smem:$0x7FF] =	sst s2;
	s14 =	smul.u32 $0x3C00, s9  }
0xa: {  	p0 =	sne.s32 s13, $0x0;
	s6 =	sor.u32 s9, s3;
	s16 =	smul.u32 $0x1E0000, s9  }
0xb: {  	_ =	strace $0x80000047;
	s8 =	ssub.s32 $0x2, s9;
	s17 =	smul.u32 $0x3C000, s9  }
0xc: {  	s3 =	sadd.s32 $0x1400, s5;
	s7 =	smul.u32 $0x3C00, s6;
	s11 =	sshrl.u32 s8, $0x1  }
0xd: {  	s13 =	sshrl.u32 @!p0 s1, $0x3;
	s6 =	smul.u32 $0x1E0000, s6;
	s8 =	ssub.s32 s8, s11  }
0xe: {  	s9 =	sadd.s32 s14, s10;
	s11 =	sadd.s32 s29, s12;
	s31 =	sadd.s32 s16, s15  }
0xf: {  	s15 =	simm.s32 $0x80;
	s16 =	simm.s32 $0x13B00;
	s7 =	sshrl.u32 s7, $0x3  }
0x10: {  	s6 =	sshrl.u32 s6, $0x3;
	s8 =	smax.u32 s8, $0x1;
	s10 =	sor.u32 $0x100, s9  }
0x11: {  	s11 =	sadd.s32 s17, s11;
	s14 =	sshrl.u32 s31, $0x3;
	s17 =	simm.s32 $0x17B00  }
0x12: {  	s5 =	sadd.s32 s7, s5;
	s4 =	sadd.s32 s4, s7;
	s30 =	sadd.s32 s12, s6  }
0x13: {  	s11 =	sadd.s32 $0x800, s11;
	s12 =	sadd.s32 s14, s12;
	s14 =	simm.s32 $0x7  }
0x14: {  	v0 =	vimm.f32 $0.0e+00;
	s5 =	sadd.s32 $0x19A00, s5;
	s6 =	sadd.s32 $0x3B000, s30;
	s7 =	sadd.s32 $0x3B800, s30  }
.LBB2_1:
0x15: {  	s25 =	simm.s32 @!p0 $0x1C06  }
0x16: {  	[spmem:s13], [sflag:s25] =	dma.local @!p0 [hbm:s3], $0x18600  }
0x17: {  	[tilespmem:s2], [sflag:$0x7] =	stream.linear.gather [hbm4b:s4+s2], $0x3C00, $0x38;
	[tilespmem:$0x1BB00] =	vst v63  }
0x18: {  	_ =	swait.ge [sflag:s14], $0x3C00  }
0x19: {  	[sflag:s14] =	ssyncset.done $0x0  }
0x1a: {  	s26 =	simm.s32 $0x0;
	[sflag:s14] =	ssyncadd.s32 $0xFFFFC400  }
0x1b: {  	v1 =	vld [tilespmem:s26+$0x0];
	_ =	sdelay $0x1  }
0x1c: {  	s31 =	sshrl.u32 s9, $0xE  }
0x1d: {  	v2 =	vmov s31  }
0x1e: {  	v2 =	vmul.u32 $0xD0, v2  }
0x1f: {  	vm0 =	vgt.s32 v1, $0x0  }
0x20: {  	v2 =	vbroadcast v2, $0x0;
	v1 =	vnsel vm0, $0x0, v1  }
0x21: {  	v3 =	vsel vm0, $0x3F800000, v0;
	v1 =	vmin.u32 v1, $0xC8  }
0x22: {  	[tilespmem:s26+$0x3C00] =	vst v3;
	v1 =	vadd.s32 v2, v1  }
0x23: {  	s28 =	simm.s32 $0x80;
	s25 =	simm.s32 $0x10;
	[tilespmem:s26+$0x0] =	vst v1;
	s26 =	smov.u32 s9  }
.LBB2_2:
0x24: {  	p1 =	sne.s32 s28, $0x3C0;
	v1 =	vld [tilespmem:s25+$0x0]  }
0x25: {  	s26 =	sadd.s32 $0x10, s26  }
0x26: {  	s29 =	sshrl.u32 s26, $0xE  }
0x27: {  	v2 =	vmov s29  }
0x28: {  	v2 =	vmul.u32 $0xD0, v2  }
.Ltmp0:
0x29: {  	vm0 =	vgt.s32 v1, $0x0;
	(pc) =	sbr.rel @p1 .LBB2_2-.Ltmp0, $4  }
0x2a: {  	v2 =	vbroadcast v2, $0x0;
	v1 =	vnsel vm0, $0x0, v1;
	v3 =	vsel vm0, $0x3F800000, v0  }
0x2b: {  	v1 =	vmin.u32 v1, $0xC8;
	[tilespmem:s25+$0x3C00] =	vst v3  }
0x2c: {  	v1 =	vadd.s32 v2, v1  }
0x2d: {  	[tilespmem:s25+$0x0] =	vst v1;
	s25 =	sshra.s32 s28, $0x2;
	s28 =	sadd.s32 $0x40, s28  }
0x2e: {  	v1 =	vld [tilespmem:s25+$0x0]  }
0x2f: {  	s26 =	sadd.s32 $0x10, s26  }
0x30: {  	s26 =	sshrl.u32 s26, $0xE  }
0x31: {  	v2 =	vmov s26  }
0x32: {  	v2 =	vmul.u32 $0xD0, v2  }
0x33: {  	vm0 =	vgt.s32 v1, $0x0  }
0x34: {  	v2 =	vbroadcast v2, $0x0;
	v1 =	vnsel vm0, $0x0, v1  }
0x35: {  	v3 =	vsel vm0, $0x3F800000, v0;
	v1 =	vmin.u32 v1, $0xC8  }
0x36: {  	[tilespmem:s25+$0x3C00] =	vst v3;
	v1 =	vadd.s32 v2, v1  }
0x37: {  	[tilespmem:s25+$0x0] =	vst v1;
	s25 =	simm.s32 @!p0 $0x6  }
0x38: {  	_ =	swait.ge @!p0 [sflag:s25], $0x18600  }
0x39: {  	[sflag:s25] =	ssyncset.done @!p0 $0x0  }
0x3a: {  	[sflag:s25] =	ssyncadd.s32 @!p0 $0xFFFE7A00  }
0x3b: {  	[bflag:$0x0] =	sbarrier.arrive $0xFFFF  }
0x3c: {  	[tilespmem:s16], [sflag:$0x1] =	stream.indirect.gather [spmem:s1], $0x80, s2, s15, $0xb8;
	[tilespmem:$0x1BB00] =	vst v63  }
0x3d: {  	s30 =	simm.s32 $0x100  }
0x3e: {  	[tilespmem:s17], [sflag:$0x2] =	stream.indirect.gather [spmem:s1], $0x80, s15, s15, $0xb8;
	[tilespmem:$0x1BB00] =	vst v63  }
0x3f: {  	v1 =	vld [tilespmem:s30+$0x0];
	_ =	sdelay $0x1  }
0x40: {  	s31 =	sshrl.u32 s10, $0xE  }
0x41: {  	v2 =	vmov s31  }
0x42: {  	v2 =	vmul.u32 $0xD0, v2  }
0x43: {  	vm15 =	vgt.s32 v1, $0x0  }
0x44: {  	v2 =	vbroadcast v2, $0x0;
	v1 =	vnsel vm15, $0x0, v1  }
0x45: {  	v3 =	vsel vm15, $0x3F800000, v0;
	v1 =	vmin.u32 v1, $0xC8  }
0x46: {  	[tilespmem:s30+$0x3C00] =	vst v3;
	v1 =	vadd.s32 v2, v1  }
0x47: {  	s28 =	simm.s32 $0x480;
	s26 =	smov.u32 s10;
	s25 =	simm.s32 $0x110;
	[tilespmem:s30+$0x0] =	vst v1  }
.LBB2_4:
0x48: {  	p1 =	sne.s32 s28, $0xEFC0;
	v1 =	vld [tilespmem:s25+$0x0]  }
0x49: {  	s26 =	sadd.s32 $0x10, s26  }
0x4a: {  	s29 =	sshrl.u32 s26, $0xE  }
0x4b: {  	v2 =	vmov s29  }
0x4c: {  	v2 =	vmul.u32 $0xD0, v2  }
.Ltmp1:
0x4d: {  	vm0 =	vgt.s32 v1, $0x0;
	(pc) =	sbr.rel @p1 .LBB2_4-.Ltmp1, $4  }
0x4e: {  	v2 =	vbroadcast v2, $0x0;
	v1 =	vnsel vm0, $0x0, v1;
	v3 =	vsel vm0, $0x3F800000, v0  }
0x4f: {  	v1 =	vmin.u32 v1, $0xC8;
	[tilespmem:s25+$0x3C00] =	vst v3  }
0x50: {  	v1 =	vadd.s32 v2, v1  }
0x51: {  	[tilespmem:s25+$0x0] =	vst v1;
	s25 =	sshra.s32 s28, $0x2;
	s28 =	sadd.s32 $0x40, s28  }
0x52: {  	v1 =	vld [tilespmem:s25+$0x0]  }
0x53: {  	s26 =	sadd.s32 $0x10, s26  }
0x54: {  	s26 =	sshrl.u32 s26, $0xE  }
0x55: {  	v2 =	vmov s26  }
0x56: {  	v2 =	vmul.u32 $0xD0, v2  }
0x57: {  	vm0 =	vgt.s32 v1, $0x0  }
0x58: {  	v2 =	vbroadcast v2, $0x0;
	v1 =	vnsel vm0, $0x0, v1  }
0x59: {  	v3 =	vsel vm0, $0x3F800000, v0;
	v1 =	vmin.u32 v1, $0xC8  }
0x5a: {  	[tilespmem:s25+$0x3C00] =	vst v3;
	v1 =	vadd.s32 v2, v1  }
0x5b: {  	s26 =	simm.s32 $0x0;
	[tilespmem:s25+$0x0] =	vst v1  }
0x5c: {  	[hbm4b:s5+s26] =	stream.linear.scatter [tilespmem:s18], [sflag:$0x5], $0x3C00, $0x38;
	[tilespmem:$0x1BB00] =	vst v63  }
0x5d: {  	_ =	swait.ge [sflag:s19], $0x4000  }
0x5e: {  	[sflag:s19] =	ssyncset.done $0x0  }
0x5f: {  	s29 =	sadd.s32 $0x0, s12;
	[sflag:s19] =	ssyncadd.s32 $0xFFFFC000  }
0x60: {  	[hbm4b:s29+s2] =	stream.linear.scatter [tilespmem:s16], [sflag:$0x3], $0x4000, $0x38;
	[tilespmem:$0x1BB00] =	vst v63  }
0x61: {  	_ =	swait.ge [sflag:s20], $0x4000  }
0x62: {  	[sflag:s20] =	ssyncset.done $0x0  }
0x63: {  	s30 =	sadd.s32 $0x0, s11;
	[sflag:s20] =	ssyncadd.s32 $0xFFFFC000  }
0x64: {  	[hbm4b:s30+s2] =	stream.linear.scatter [tilespmem:s17], [sflag:$0x4], $0x4000, $0x38;
	[tilespmem:$0x1BB00] =	vst v63  }
0x65: {  	_ =	swait.ge [sflag:s21], $0x4000  }
0x66: {  	[sflag:s21] =	ssyncset.done $0x0  }
0x67: {  	s31 =	simm.s32 $0x100;
	[sflag:s21] =	ssyncadd.s32 $0xFFFFC000  }
0x68: {  	[tilespmem:s16], [sflag:$0x1] =	stream.indirect.gather [spmem:s1], $0x80, s31, s15, $0xb8;
	[tilespmem:$0x1BB00] =	vst v63  }
0x69: {  	_ =	swait.ge [sflag:s22], $0x4000  }
0x6a: {  	s28 =	simm.s32 $0x280;
	[sflag:s22] =	ssyncset.done $0x0  }
0x6b: {  	s25 =	simm.s32 $0x180;
	s26 =	simm.s32 $0x1000;
	[sflag:s22] =	ssyncadd.s32 $0xFFFFC000  }
.LBB2_6:
0x6c: {  	[tilespmem:s17], [sflag:$0x2] =	stream.indirect.gather [spmem:s1], $0x80, s25, s15, $0xb8;
	[tilespmem:$0x1BB00] =	vst v63  }
0x6d: {  	s29 =	smov.u32 s26;
	s25 =	smov.u32 s28  }
0x6e: {  	p1 =	sne.s32 s26, $0x3A000;
	s26 =	sadd.s32 $0x1000, s26;
	_ =	swait.ge [sflag:s19], $0x4000  }
0x6f: {  	[sflag:s19] =	ssyncset.done $0x0  }
0x70: {  	s30 =	sadd.s32 s29, s12;
	[sflag:s19] =	ssyncadd.s32 $0xFFFFC000  }
0x71: {  	[hbm4b:s30+s2] =	stream.linear.scatter [tilespmem:s16], [sflag:$0x3], $0x4000, $0x38;
	[tilespmem:$0x1BB00] =	vst v63  }
0x72: {  	_ =	swait.ge [sflag:s20], $0x4000  }
0x73: {  	[sflag:s20] =	ssyncset.done $0x0  }
0x74: {  	s29 =	sadd.s32 s29, s11;
	[sflag:s20] =	ssyncadd.s32 $0xFFFFC000  }
0x75: {  	[hbm4b:s29+s2] =	stream.linear.scatter [tilespmem:s17], [sflag:$0x4], $0x4000, $0x38;
	[tilespmem:$0x1BB00] =	vst v63  }
0x76: {  	_ =	swait.ge [sflag:s21], $0x4000  }
0x77: {  	[sflag:s21] =	ssyncset.done $0x0  }
.Ltmp2:
0x78: {  	s29 =	sadd.s32 $0xFFFFFF80, s28;
	[sflag:s21] =	ssyncadd.s32 $0xFFFFC000;
	(pc) =	sbr.rel @p1 .LBB2_6-.Ltmp2, $4  }
0x79: {  	[tilespmem:s16], [sflag:$0x1] =	stream.indirect.gather [spmem:s1], $0x80, s29, s15, $0xb8;
	[tilespmem:$0x1BB00] =	vst v63  }
0x7a: {  	_ =	swait.ge [sflag:s22], $0x4000  }
0x7b: {  	[sflag:s22] =	ssyncset.done $0x0  }
0x7c: {  	s28 =	sadd.s32 $0x100, s28;
	[sflag:s22] =	ssyncadd.s32 $0xFFFFC000  }
0x7d: {  	[tilespmem:s17], [sflag:$0x2] =	stream.indirect.gather [spmem:s1], $0x80, s25, s15, $0xb8;
	[tilespmem:$0x1BB00] =	vst v63  }
0x7e: {  	_ =	swait.ge [sflag:s19], $0x4000  }
0x7f: {  	[sflag:s19] =	ssyncset.done $0x0  }
0x80: {  	[sflag:s19] =	ssyncadd.s32 $0xFFFFC000  }
0x81: {  	[hbm4b:s6+s2] =	stream.linear.scatter [tilespmem:s16], [sflag:$0x3], $0x4000, $0x38;
	[tilespmem:$0x1BB00] =	vst v63  }
0x82: {  	_ =	swait.ge [sflag:s20], $0x4000  }
0x83: {  	[sflag:s20] =	ssyncset.done $0x0  }
0x84: {  	[sflag:s20] =	ssyncadd.s32 $0xFFFFC000  }
0x85: {  	[hbm4b:s7+s2] =	stream.linear.scatter [tilespmem:s17], [sflag:$0x4], $0x4000, $0x38;
	[tilespmem:$0x1BB00] =	vst v63  }
0x86: {  	_ =	swait.ge [sflag:s21], $0x4000  }
0x87: {  	[sflag:s21] =	ssyncset.done $0x0  }
0x88: {  	s24 =	sadd.s32 $0x1, s24;
	[sflag:s21] =	ssyncadd.s32 $0xFFFFC000  }
0x89: {  	p1 =	sne.s32 s24, s8;
	_ =	swait.ge [sflag:s22], $0x4000  }
.Ltmp3:
0x8a: {  	[sflag:s22] =	ssyncset.done $0x0;
	(pc) =	sbr.rel @p1 .LBB2_1-.Ltmp3, $4  }
0x8b: {  	[sflag:s22] =	ssyncadd.s32 $0xFFFFC000  }
0x8c: {  	_ =	swait.ge [sflag:s23], $0x3C00  }
0x8d: {  	[sflag:s23] =	ssyncset.done $0x0  }
0x8e: {  	[sflag:s23] =	ssyncadd.s32 $0xFFFFC400  }
0x8f: {  	_ =	sfence.sel $0x180000  }
0x90: {  	[bflag:$0x0] =	sbarrier.arrive $0xFFFF  }
0x91: {  	_ =	strace $0x90000047  }
0x92: {  	s0 =	sadd.s32 @!p0 $0x100000, s0;
	[bflag:$0x2] =	sbarrier.arrive $0xFFFF  }
0x93: {  	[sflag:s0] =	ssyncadd.tile.s32 @!p0 $0x1;
	_ =	shalt  }
.Lfunc_end2:
_tile_overlayer_lowered:
.L_overlay_start_2:
0x94: {  	(tag) =	ssettag $0x2  }
0x95: {  	s0 =	rddreg [dreg:$0x0];
	s2 =	stileid.u32  }
0x96: {  	s1 =	rddreg [dreg:$0x1];
	p0 =	sne.s32 s2, $0x0  }
0x97: {  	s3 =	rddreg [dreg:$0x2];
	[bflag:$0x3] =	sbarrier.arrive $0xFFFF;
	s2 =	simm.s32 @!p0 $0x1C07  }
0x98: {  	[timem:s3], [sflag:s2] =	dma.local @!p0 [hbm:s0], s1  }
0x99: {  	s0 =	simm.s32 @!p0 $0x7  }
0x9a: {  	_ =	swait.ge @!p0 [sflag:s0], s1  }
0x9b: {  	s1 =	ssub.s32 @!p0 $0x0, s1;
	[sflag:s0] =	ssyncset.done @!p0 $0x0  }
0x9c: {  	[sflag:s0] =	ssyncadd.s32 @!p0 s1  }
0x9d: {  	[bflag:$0x3] =	sbarrier.arrive $0xFFFF  }
0x9e: {  	_ =	shalt  }

</sc_bundles>
